<compile_context>
chip_gen: v7x
topology: tpu7x:2x2x1
jax: 0.10.2.dev20260603
libtpu: 0.0.44.dev20260713+nightly
codegen_flags: <defaults>
</compile_context>

<pallas_src>
import functools

import jax
import jax.numpy as jnp
from jax import lax
from jax.experimental import pallas as pl
from jax.experimental.pallas import tpu as pltpu
from jax.experimental.pallas import tpu_sc as plsc

NW = 32
NTILES = 16
CHUNK = 128
KBUF = 2
NPHASE = 2
TW = 128


def _round_up(v, m):
    return (v + m - 1) // m * m



@functools.partial(jax.jit, static_argnames=("np_rows", "nchunks"))
def _sc_edge_scatter(y, srcs, dsts, zeros, *, np_rows, nchunks):
    rows_per_tile = np_rows // NTILES
    nh = nchunks // NPHASE
    mesh = plsc.VectorSubcoreMesh(core_axis_name="c", subcore_axis_name="s")

    @functools.partial(
        pl.kernel,
        mesh=mesh,
        out_type=jax.ShapeDtypeStruct((2, np_rows, TW), jnp.float32),
        scratch_types=[
            pltpu.VMEM((nh, CHUNK), jnp.int32),
            pltpu.VMEM((nh, CHUNK), jnp.int32),
            pltpu.VMEM((KBUF, CHUNK, TW), jnp.float32),
            pltpu.VMEM_SHARED((np_rows, TW), jnp.float32),
            pltpu.SemaphoreType.DMA,
        ],
    )
    def k(y_hbm, srcs_hbm, dsts_hbm, zeros_hbm, out_hbm,
          src_v, dst_v, rows_v, accum, gsem):
        c = lax.axis_index("c")
        s = lax.axis_index("s")
        wid = s * 2 + c
        row0 = s * rows_per_tile
        pltpu.sync_copy(zeros_hbm.at[pl.ds(row0, rows_per_tile)],
                        accum.at[pl.ds(row0, rows_per_tile)])
        plsc.subcore_barrier()

        def body(i, carry):
            handles = [
                pltpu.async_copy(y_hbm.at[src_v.at[i * KBUF + b]],
                                 rows_v.at[b], gsem)
                for b in range(KBUF)
            ]
            for h in handles:
                h.wait()
            for b in range(KBUF):
                pltpu.sync_copy(rows_v.at[b],
                                accum.at[dst_v.at[i * KBUF + b]], add=True)
            return carry

        for p in range(NPHASE):
            pltpu.sync_copy(srcs_hbm.at[wid, pl.ds(p * nh, nh)], src_v)
            pltpu.sync_copy(dsts_hbm.at[wid, pl.ds(p * nh, nh)], dst_v)
            lax.fori_loop(0, nh // KBUF, body, 0)
        plsc.subcore_barrier()
        pltpu.sync_copy(accum.at[pl.ds(row0, rows_per_tile)],
                        out_hbm.at[c, pl.ds(row0, rows_per_tile)])

    return k(y, srcs, dsts, zeros)


@functools.partial(jax.jit, static_argnames=("np_rows", "nchunks"))
def _sc_degree(dsts, ones, zeros, *, np_rows, nchunks):
    rows_per_tile = np_rows // NTILES
    mesh = plsc.VectorSubcoreMesh(core_axis_name="c", subcore_axis_name="s")

    @functools.partial(
        pl.kernel,
        mesh=mesh,
        out_type=jax.ShapeDtypeStruct((2, np_rows, TW), jnp.float32),
        scratch_types=[
            pltpu.VMEM((nchunks, CHUNK), jnp.int32),
            pltpu.VMEM((CHUNK, TW), jnp.float32),
            pltpu.VMEM_SHARED((np_rows, TW), jnp.float32),
        ],
    )
    def k(dsts_hbm, ones_hbm, zeros_hbm, out_hbm, dst_v, ones_v, accum):
        c = lax.axis_index("c")
        s = lax.axis_index("s")
        wid = s * 2 + c
        row0 = s * rows_per_tile
        pltpu.sync_copy(zeros_hbm.at[pl.ds(row0, rows_per_tile)],
                        accum.at[pl.ds(row0, rows_per_tile)])
        pltpu.sync_copy(dsts_hbm.at[wid], dst_v)
        pltpu.sync_copy(ones_hbm, ones_v)
        plsc.subcore_barrier()

        def body(j, carry):
            pltpu.sync_copy(ones_v, accum.at[dst_v.at[j]], add=True)
            return carry

        lax.fori_loop(0, nchunks, body, 0)
        plsc.subcore_barrier()
        pltpu.sync_copy(accum.at[pl.ds(row0, rows_per_tile)],
                        out_hbm.at[c, pl.ds(row0, rows_per_tile)])

    return k(dsts, ones, zeros)



def _tc_first(x, w1, degp, *, n, np_rows):

    def body(x_ref, w_ref, degp_ref, dinv_ref, y_ref):
        deg = degp_ref[0, 0:n, 0:1] + degp_ref[1, 0:n, 0:1] + 1.0
        dinv = lax.rsqrt(deg)
        dinv_ref[...] = dinv
        y = jnp.dot(x_ref[...], w_ref[...],
                    preferred_element_type=jnp.float32)
        y_ref[0:n, :] = y * dinv
        y_ref[n:np_rows, :] = jnp.zeros(
            (np_rows - n, y_ref.shape[1]), jnp.float32)

    return pl.pallas_call(
        body,
        out_shape=(
            jax.ShapeDtypeStruct((n, 1), jnp.float32),
            jax.ShapeDtypeStruct((np_rows, TW), jnp.float32),
        ),
    )(x, w1, degp)


def _tc_mid(p, yprev, dinv, b, w, *, n, np_rows):

    def body(p_ref, y_ref, dinv_ref, b_ref, w_ref, out_ref):
        s = p_ref[0, 0:n, :] + p_ref[1, 0:n, :] + y_ref[0:n, :]
        h = dinv_ref[...] * s + b_ref[...]
        y = jnp.dot(h, w_ref[...], preferred_element_type=jnp.float32)
        out_ref[0:n, :] = y * dinv_ref[...]
        out_ref[n:np_rows, :] = jnp.zeros(
            (np_rows - n, out_ref.shape[1]), jnp.float32)

    return pl.pallas_call(
        body,
        out_shape=jax.ShapeDtypeStruct((np_rows, TW), jnp.float32),
    )(p, yprev, dinv, b, w)


def _tc_last(p, yprev, dinv, b, *, n):

    def body(p_ref, y_ref, dinv_ref, b_ref, out_ref):
        s = p_ref[0, 0:n, 0:1] + p_ref[1, 0:n, 0:1] + y_ref[0:n, 0:1]
        out_ref[...] = dinv_ref[...] * s + b_ref[...]

    return pl.pallas_call(
        body,
        out_shape=jax.ShapeDtypeStruct((n, 1), jnp.float32),
    )(p, yprev, dinv, b)



def kernel(x, edge_index, W1, b1, W2, b2, W3, b3):
    n = x.shape[0]
    e = edge_index.shape[1]
    np_rows = _round_up(n + 1, 128)
    nchunks = _round_up(-(-e // (NW * CHUNK)), KBUF * NPHASE)
    epad = NW * nchunks * CHUNK

    src = jnp.asarray(edge_index[0], jnp.int32)
    dst = jnp.asarray(edge_index[1], jnp.int32)
    fill = jnp.full((epad - e,), n, jnp.int32)
    srcs = jnp.concatenate([src, fill]).reshape(NW, nchunks, CHUNK)
    dsts = jnp.concatenate([dst, fill]).reshape(NW, nchunks, CHUNK)

    d1 = W1.shape[1]
    d3 = W3.shape[1]
    w1p = jnp.zeros((x.shape[1], TW), jnp.float32).at[:, 0:d1].set(W1)
    w2p = jnp.zeros((TW, TW), jnp.float32).at[0:d1, 0:d1].set(W2)
    w3p = jnp.zeros((TW, TW), jnp.float32).at[0:d1, 0:d3].set(W3)
    b1p = jnp.zeros((1, TW), jnp.float32).at[0, 0:d1].set(b1)
    b2p = jnp.zeros((1, TW), jnp.float32).at[0, 0:d1].set(b2)

    zeros_t = jnp.zeros((np_rows, TW), jnp.float32)
    ones_c = jnp.ones((CHUNK, TW), jnp.float32)

    degp = _sc_degree(dsts, ones_c, zeros_t, np_rows=np_rows, nchunks=nchunks)
    dinv, y1 = _tc_first(x, w1p, degp, n=n, np_rows=np_rows)

    p1 = _sc_edge_scatter(y1, srcs, dsts, zeros_t,
                          np_rows=np_rows, nchunks=nchunks)
    y2 = _tc_mid(p1, y1, dinv, b1p, w2p, n=n, np_rows=np_rows)

    p2 = _sc_edge_scatter(y2, srcs, dsts, zeros_t,
                          np_rows=np_rows, nchunks=nchunks)
    y3 = _tc_mid(p2, y2, dinv, b2p, w3p, n=n, np_rows=np_rows)

    p3 = _sc_edge_scatter(y3, srcs, dsts, zeros_t,
                          np_rows=np_rows, nchunks=nchunks)
    return _tc_last(p3, y3, dinv, b3.reshape(1, -1), n=n)

# --- scband reference (transcript-rebuilt; emitter-appended) ---
"""Pipeline reference for scband-net-12283606467803 (READ-ONLY COPY).

The authoritative reference and input builder live on the scoring server;
editing this copy changes nothing except your own understanding.
"""

import jax, jax.numpy as jnp
import numpy as np

N_NODES = 10000


def gcn_layer(x, src, dst, W, b):
    n = N_NODES
    loop = jnp.arange(n, dtype=src.dtype)
    src2 = jnp.concatenate([src, loop])
    dst2 = jnp.concatenate([dst, loop])
    # symmetric normalization with edge weight 1
    deg = jnp.zeros((n,), dtype=x.dtype).at[dst2].add(1.0)
    dinv = jnp.where(deg > 0, 1.0 / jnp.sqrt(deg), 0.0)
    norm = dinv[src2] * dinv[dst2]
    xw = x @ W
    msg = xw[src2] * norm[:, None]
    out = jnp.zeros((n, W.shape[1]), dtype=x.dtype).at[dst2].add(msg)
    return out + b


def setup_inputs(seed: int = 0) -> dict:
    key = jax.random.key(seed)
    ks = jax.random.split(key, 8)
    x = jax.random.normal(ks[0], (N_NODES, 128), dtype=jnp.float32)
    edge_index = jax.random.randint(ks[1], (2, 320000), 0, N_NODES, dtype=jnp.int64)
    def glorot(k, fan_in, fan_out):
        lim = jnp.sqrt(6.0 / (fan_in + fan_out))
        return jax.random.uniform(k, (fan_in, fan_out), dtype=jnp.float32, minval=-lim, maxval=lim)
    W1 = glorot(ks[2], 128, 32)
    b1 = jnp.zeros((32,), dtype=jnp.float32)
    W2 = glorot(ks[3], 32, 32)
    b2 = jnp.zeros((32,), dtype=jnp.float32)
    W3 = glorot(ks[4], 32, 1)
    b3 = jnp.zeros((1,), dtype=jnp.float32)
    return {"x": x, "edge_index": edge_index, "W1": W1, "b1": b1, "W2": W2, "b2": b2, "W3": W3, "b3": b3}


def reference(x, edge_index, W1, b1, W2, b2, W3, b3):
    src = edge_index[0]
    dst = edge_index[1]
    h = gcn_layer(x, src, dst, W1, b1)
    h = gcn_layer(h, src, dst, W2, b2)
    h = gcn_layer(h, src, dst, W3, b3)
    return h

if __name__ == "__main__":
    import jax
    _d = setup_inputs()
    print(jax.jit(kernel)(*tuple(_d.values())))

</pallas_src>

<mosaic_0001>
#map = affine_map<(d0, d1) -> (0, 0, 0)>
#map1 = affine_map<(d0, d1) -> (0, 0)>
module attributes {stable_mosaic.version = 14 : i64} {
  func.func @k(%arg0: i32, %arg1: i32, %arg2: memref<32x80x128xi32, #tpu.memory_space<hbm>>, %arg3: memref<128x128xf32, #tpu.memory_space<hbm>>, %arg4: memref<10112x128xf32, #tpu.memory_space<hbm>>, %arg5: memref<2x10112x128xf32, #tpu.memory_space<hbm>>, %arg6: memref<80x128xi32, #tpu.memory_space<vmem>>, %arg7: memref<128x128xf32, #tpu.memory_space<vmem>>, %arg8: memref<10112x128xf32, #tpu.memory_space<vmem_shared>>) attributes {dimension_semantics = [#tpu.dimension_semantics<core_parallel>, #tpu.dimension_semantics<subcore_parallel>], iteration_bounds = array<i64: 2, 16>, scalar_prefetch = 0 : i64, scratch_operands = 3 : i64, tpu.core_type = #tpu.core_type<sc_vector_subcore>, window_params = [{transform_indices = #map}, {transform_indices = #map1}, {transform_indices = #map1}, {transform_indices = #map}]} {
    %mul3A = arith.constant 2 : i32
    %mul3A_0 = arith.muli %arg1, %mul3A : i32
    %add3A = arith.addi %mul3A_0, %arg0 : i32
    %mul3A_1 = arith.constant 632 : i32
    %mul3A_2 = arith.muli %arg1, %mul3A_1 : i32
    "tpu.region"() ({
      %run_scoped3A = tpu.sem_alloc : memref<!tpu.dma_semaphore, #tpu.memory_space<semaphore_mem>>
      %dma_start3A = arith.constant 0 : i32
      %dma_start3A_9 = tpu.memref_slice %arg8[%mul3A_2, %dma_start3A] : memref<10112x128xf32, #tpu.memory_space<vmem_shared>> -> memref<632x128xf32, #tpu.memory_space<vmem_shared>>
      %dma_start3A_10 = arith.constant 0 : i32
      %dma_start3A_11 = tpu.memref_slice %arg4[%mul3A_2, %dma_start3A_10] : memref<10112x128xf32, #tpu.memory_space<hbm>> -> memref<632x128xf32, #tpu.memory_space<hbm>>
      tpu.enqueue_dma source(%dma_start3A_11 : memref<632x128xf32, #tpu.memory_space<hbm>>) target(%dma_start3A_9 : memref<632x128xf32, #tpu.memory_space<vmem_shared>>) target_semaphore(%run_scoped3A : memref<!tpu.dma_semaphore, #tpu.memory_space<semaphore_mem>>)
      %dma_wait3A = arith.constant 0 : i32
      %dma_wait3A_12 = tpu.memref_slice %arg8[%mul3A_2, %dma_wait3A] : memref<10112x128xf32, #tpu.memory_space<vmem_shared>> -> memref<632x128xf32, #tpu.memory_space<vmem_shared>>
      %dma_wait3A_13 = arith.constant 0 : i32
      %dma_wait3A_14 = tpu.memref_slice %arg4[%mul3A_2, %dma_wait3A_13] : memref<10112x128xf32, #tpu.memory_space<hbm>> -> memref<632x128xf32, #tpu.memory_space<hbm>>
      tpu.wait_dma2 semaphore(%run_scoped3A : memref<!tpu.dma_semaphore, #tpu.memory_space<semaphore_mem>>) src(%dma_wait3A_14 : memref<632x128xf32, #tpu.memory_space<hbm>>) dst(%dma_wait3A_12 : memref<632x128xf32, #tpu.memory_space<vmem_shared>>)
      tpu.yield
    }) : () -> ()
    "tpu.region"() ({
      %run_scoped3A = tpu.sem_alloc : memref<!tpu.dma_semaphore, #tpu.memory_space<semaphore_mem>>
      %dma_start3A = arith.constant 0 : i32
      %dma_start3A_9 = arith.constant 0 : i32
      %dma_start3A_10 = tpu.memref_slice %arg2[%add3A, %dma_start3A, %dma_start3A_9] : memref<32x80x128xi32, #tpu.memory_space<hbm>> -> memref<1x80x128xi32, #tpu.memory_space<hbm>>
      %dma_start3A_11 = tpu.memref_squeeze %dma_start3A_10 : memref<1x80x128xi32, #tpu.memory_space<hbm>> -> memref<80x128xi32, #tpu.memory_space<hbm>>
      %dma_start3A_12 = arith.constant 0 : i32
      %dma_start3A_13 = arith.constant 0 : i32
      %dma_start3A_14 = tpu.memref_slice %arg2[%add3A, %dma_start3A_12, %dma_start3A_13] : memref<32x80x128xi32, #tpu.memory_space<hbm>> -> memref<1x80x128xi32, #tpu.memory_space<hbm>>
      %dma_start3A_15 = tpu.memref_squeeze %dma_start3A_14 : memref<1x80x128xi32, #tpu.memory_space<hbm>> -> memref<80x128xi32, #tpu.memory_space<hbm>>
      tpu.enqueue_dma source(%dma_start3A_15 : memref<80x128xi32, #tpu.memory_space<hbm>>) target(%arg6 : memref<80x128xi32, #tpu.memory_space<vmem>>) target_semaphore(%run_scoped3A : memref<!tpu.dma_semaphore, #tpu.memory_space<semaphore_mem>>)
      %dma_wait3A = arith.constant 0 : i32
      %dma_wait3A_16 = arith.constant 0 : i32
      %dma_wait3A_17 = tpu.memref_slice %arg2[%add3A, %dma_wait3A, %dma_wait3A_16] : memref<32x80x128xi32, #tpu.memory_space<hbm>> -> memref<1x80x128xi32, #tpu.memory_space<hbm>>
      %dma_wait3A_18 = tpu.memref_squeeze %dma_wait3A_17 : memref<1x80x128xi32, #tpu.memory_space<hbm>> -> memref<80x128xi32, #tpu.memory_space<hbm>>
      %dma_wait3A_19 = arith.constant 0 : i32
      %dma_wait3A_20 = arith.constant 0 : i32
      %dma_wait3A_21 = tpu.memref_slice %arg2[%add3A, %dma_wait3A_19, %dma_wait3A_20] : memref<32x80x128xi32, #tpu.memory_space<hbm>> -> memref<1x80x128xi32, #tpu.memory_space<hbm>>
      %dma_wait3A_22 = tpu.memref_squeeze %dma_wait3A_21 : memref<1x80x128xi32, #tpu.memory_space<hbm>> -> memref<80x128xi32, #tpu.memory_space<hbm>>
      tpu.wait_dma2 semaphore(%run_scoped3A : memref<!tpu.dma_semaphore, #tpu.memory_space<semaphore_mem>>) src(%dma_wait3A_22 : memref<80x128xi32, #tpu.memory_space<hbm>>) dst(%arg6 : memref<80x128xi32, #tpu.memory_space<vmem>>)
      tpu.yield
    }) : () -> ()
    "tpu.region"() ({
      %run_scoped3A = tpu.sem_alloc : memref<!tpu.dma_semaphore, #tpu.memory_space<semaphore_mem>>
      tpu.enqueue_dma source(%arg3 : memref<128x128xf32, #tpu.memory_space<hbm>>) target(%arg7 : memref<128x128xf32, #tpu.memory_space<vmem>>) target_semaphore(%run_scoped3A : memref<!tpu.dma_semaphore, #tpu.memory_space<semaphore_mem>>)
      tpu.wait_dma2 semaphore(%run_scoped3A : memref<!tpu.dma_semaphore, #tpu.memory_space<semaphore_mem>>) src(%arg3 : memref<128x128xf32, #tpu.memory_space<hbm>>) dst(%arg7 : memref<128x128xf32, #tpu.memory_space<vmem>>)
      tpu.yield
    }) : () -> ()
    %barrier3A = arith.constant 0 : index
    tpu.barrier barrier_id(%barrier3A)
    %scan3A = arith.constant 0 : i32
    %scan3A_3 = arith.constant 0 : i32
    %scan3A_4 = arith.constant 80 : i32
    %scan3A_5 = arith.addi %scan3A_3, %scan3A_4 : i32
    %scan3A_6 = arith.constant 1 : i32
    scf.for %scan3A_9 = %scan3A_3 to %scan3A_5 step %scan3A_6  : i32 {
      "tpu.region"() ({
        %run_scoped3A = tpu.sem_alloc : memref<!tpu.dma_semaphore, #tpu.memory_space<semaphore_mem>>
        %dma_start3A = arith.constant 0 : i32
        %dma_start3A_10 = tpu.memref_slice %arg6[%scan3A_9, %dma_start3A] : memref<80x128xi32, #tpu.memory_space<vmem>> -> memref<1x128xi32, #tpu.memory_space<vmem>>
        %dma_start3A_11 = tpu.memref_squeeze %dma_start3A_10 : memref<1x128xi32, #tpu.memory_space<vmem>> -> memref<128xi32, #tpu.memory_space<vmem>>
        %dma_start3A_12 = arith.constant 0 : i32
        %dma_start3A_13 = arith.constant 0 : i32
        %dma_start3A_14 = tpu.memref_slice %arg8[%dma_start3A_12, %dma_start3A_13] : memref<10112x128xf32, #tpu.memory_space<vmem_shared>> -> memref<10112x128xf32, #tpu.memory_space<vmem_shared>>
        tpu.enqueue_indirect_dma source(%arg7 : memref<128x128xf32, #tpu.memory_space<vmem>>) target(%dma_start3A_14 : memref<10112x128xf32, #tpu.memory_space<vmem_shared>>) offsets(%dma_start3A_11 : memref<128xi32, #tpu.memory_space<vmem>>) semaphore(%run_scoped3A : memref<!tpu.dma_semaphore, #tpu.memory_space<semaphore_mem>>) {add = true}
        %dma_wait3A = arith.constant 0 : i32
        %dma_wait3A_15 = tpu.memref_slice %arg6[%scan3A_9, %dma_wait3A] : memref<80x128xi32, #tpu.memory_space<vmem>> -> memref<1x128xi32, #tpu.memory_space<vmem>>
        %dma_wait3A_16 = tpu.memref_squeeze %dma_wait3A_15 : memref<1x128xi32, #tpu.memory_space<vmem>> -> memref<128xi32, #tpu.memory_space<vmem>>
        %dma_wait3A_17 = arith.constant 0 : i32
        %dma_wait3A_18 = arith.constant 0 : i32
        %dma_wait3A_19 = tpu.memref_slice %arg8[%dma_wait3A_17, %dma_wait3A_18] : memref<10112x128xf32, #tpu.memory_space<vmem_shared>> -> memref<10112x128xf32, #tpu.memory_space<vmem_shared>>
        tpu.wait_indirect_dma semaphore(%run_scoped3A : memref<!tpu.dma_semaphore, #tpu.memory_space<semaphore_mem>>) src(%arg7 : memref<128x128xf32, #tpu.memory_space<vmem>>) dst(%dma_wait3A_19 : memref<10112x128xf32, #tpu.memory_space<vmem_shared>>)
        tpu.yield
      }) : () -> ()
    }
    %scan3A_7 = arith.constant 80 : i32
    %barrier3A_8 = arith.constant 0 : index
    tpu.barrier barrier_id(%barrier3A_8)
    "tpu.region"() ({
      %run_scoped3A = tpu.sem_alloc : memref<!tpu.dma_semaphore, #tpu.memory_space<semaphore_mem>>
      %dma_start3A = arith.constant 0 : i32
      %dma_start3A_9 = tpu.memref_slice %arg5[%arg0, %mul3A_2, %dma_start3A] : memref<2x10112x128xf32, #tpu.memory_space<hbm>> -> memref<1x632x128xf32, #tpu.memory_space<hbm>>
      %dma_start3A_10 = tpu.memref_squeeze %dma_start3A_9 : memref<1x632x128xf32, #tpu.memory_space<hbm>> -> memref<632x128xf32, #tpu.memory_space<hbm>>
      %dma_start3A_11 = arith.constant 0 : i32
      %dma_start3A_12 = tpu.memref_slice %arg8[%mul3A_2, %dma_start3A_11] : memref<10112x128xf32, #tpu.memory_space<vmem_shared>> -> memref<632x128xf32, #tpu.memory_space<vmem_shared>>
      tpu.enqueue_dma source(%dma_start3A_12 : memref<632x128xf32, #tpu.memory_space<vmem_shared>>) target(%dma_start3A_10 : memref<632x128xf32, #tpu.memory_space<hbm>>) target_semaphore(%run_scoped3A : memref<!tpu.dma_semaphore, #tpu.memory_space<semaphore_mem>>)
      %dma_wait3A = arith.constant 0 : i32
      %dma_wait3A_13 = tpu.memref_slice %arg5[%arg0, %mul3A_2, %dma_wait3A] : memref<2x10112x128xf32, #tpu.memory_space<hbm>> -> memref<1x632x128xf32, #tpu.memory_space<hbm>>
      %dma_wait3A_14 = tpu.memref_squeeze %dma_wait3A_13 : memref<1x632x128xf32, #tpu.memory_space<hbm>> -> memref<632x128xf32, #tpu.memory_space<hbm>>
      %dma_wait3A_15 = arith.constant 0 : i32
      %dma_wait3A_16 = tpu.memref_slice %arg8[%mul3A_2, %dma_wait3A_15] : memref<10112x128xf32, #tpu.memory_space<vmem_shared>> -> memref<632x128xf32, #tpu.memory_space<vmem_shared>>
      tpu.wait_dma2 semaphore(%run_scoped3A : memref<!tpu.dma_semaphore, #tpu.memory_space<semaphore_mem>>) src(%dma_wait3A_16 : memref<632x128xf32, #tpu.memory_space<vmem_shared>>) dst(%dma_wait3A_14 : memref<632x128xf32, #tpu.memory_space<hbm>>)
      tpu.yield
    }) : () -> ()
    return
  }
}

</mosaic_0001>

<sc_bundles>
// kernel: _sc_degree.3.cloned.1.call-start
scs
__scs_entry_jumppad:
0x0: {  	(pc) =	sbr.rel $0x88, $3  }
0x1: {  	(tag) =	ssettag $0x0;
	lr =	simm.s32 $0x1  }
0x2: {  	[smem:$0x3F9E] =	sst lr;
	_ =	strace $0xD0000000  }
0x3: {  	_ = 	snop  }
0x4: {  	_ = 	snop  }
0x5: {  	_ = 	snop  }
0x6: {  	_ = 	snop  }
0x7: {  	_ = 	snop  }
__scs_overlays_trampoline_lowered:
0x8: {  	[smem:$0x3FAD] =	sst s0  }
0x9: {  	[smem:$0x3FAE] =	sst s1  }
0xa: {  	[smem:$0x3FAF] =	sst s2  }
0xb: {  	[smem:$0x3FB0] =	sst s3  }
0xc: {  	[smem:$0x3FB1] =	sst s4  }
0xd: {  	[smem:$0x3FB2] =	sst s5  }
0xe: {  	[smem:$0x3FB3] =	sst s6  }
0xf: {  	[smem:$0x3FB4] =	sst s7  }
0x10: {  	[smem:$0x3FB5] =	sst s8  }
0x11: {  	[smem:$0x3FB6] =	sst s9;
	s0 =	simm.s32 @!p0 $0x0  }
0x12: {  	s1 =	sld [smem:$0x3F9C];
	s0 =	simm.s32 @p0 $0x1  }
0x13: {  	[smem:$0x3FB7] =	sst s0;
	s0 =	simm.s32 @!p1 $0x0  }
0x14: {  	s2 =	sld [smem:$0x3F9B];
	s0 =	simm.s32 @p1 $0x1  }
0x15: {  	[smem:$0x3FB8] =	sst s0;
	s0 =	simm.s32 @!p2 $0x0  }
0x16: {  	s3 =	sld [smem:$0x3FDB];
	s0 =	simm.s32 @p2 $0x1  }
0x17: {  	s4 =	simm.s32 $0x1BF5;
	[smem:$0x3FBA] =	sst s0  }
0x18: {  	s0 =	sld [smem:$0x3F9D];
	_ =	swait.ge [sflag:s4], $0x0  }
0x19: {  	s7 =	sld [smem:$0x3F9E]  }
0x1a: {  	s8 =	sadd.s32 $0xFFFFE003, lr  }
0x1b: {  	s9 =	sadd.s32 $0xFFFFFEF7, lr;
	s5 =	simm.s32 $0xFFFFFFFF;
	p2 =	slt.u32 s8, $0xFFFFF086  }
0x1c: {  	p1 =	slt.u32 s9, $0xF7A;
	s5 =	simm.s32 @!p2 $0x0  }
0x1d: {  	s5 =	simm.s32 @p1 $0x1;
	p0 =	seq.s32 s7, s2  }
0x1e: {  	s7 =	smul.u32 @!p0 $0xF7A, s2;
	p2 =	seq.s32 @!p0 s5, $0x0  }
0x1f: {  	s9 =	smul.u32 $0xF7A, s1;
	s8 =	simm.s32 @!p0 $0x1BF5;
	p2 =	por !p2, p0  }
0x20: {  	[sflag:s8] =	ssyncset.s32 @!p0 $0xFFFFF086;
	s6 =	sadd.s32 @!p0 s3, s7;
	s7 =	simm.s32 @!p0 $0x108  }
0x21: {  	s3 =	sadd.s32 s3, s9;
	s6 =	sadd.s32 @!p0 $0x88, s6;
	s7 =	simm.s32 @p2 $0x1082  }
0x22: {  	[simem:s7], [sflag:s8] =	dma.local @!p0 [hbm:s6], $0xF7A  }
0x23: {  	s9 =	sor.u32 $0xD0000000, s2;
	s6 =	simm.s32 $0x108;
	_ =	swait.ge @!p0 [sflag:s8], $0x0  }
0x24: {  	s3 =	sadd.s32 $0x88, s3;
	s6 =	simm.s32 @!p1 $0x1082;
	[sflag:s4] =	ssyncset.s32 $0xFFFFF086  }
0x25: {  	[simem:s6], [sflag:s4] =	dma.local [hbm:s3], $0xF7A  }
0x26: {  	[smem:$0x3F9E] =	sst s1;
	(tag) =	ssettag s2;
	_ =	strace s9  }
0x27: {  	s1 =	sld [smem:$0x3FAE]  }
0x28: {  	s2 =	sld [smem:$0x3FAF]  }
0x29: {  	s4 =	sld [smem:$0x3FB1]  }
0x2a: {  	p0 =	seq.s32 s5, $0x0;
	s5 =	sld [smem:$0x3FB2]  }
0x2b: {  	s6 =	sld [smem:$0x3FB3]  }
0x2c: {  	s7 =	sld [smem:$0x3FB4]  }
0x2d: {  	s3 =	simm.s32 $0x108;
	s8 =	sld [smem:$0x3FB5]  }
0x2e: {  	s3 =	simm.s32 @!p0 $0x1082;
	s9 =	sld [smem:$0x3FB6]  }
0x2f: {  	lr =	sadd.s32 s0, s3;
	s0 =	sld [smem:$0x3FAD]  }
0x30: {  	s3 =	sld [smem:$0x3FB0]  }
0x31: {  	[smem:$0x3FB9] =	sst s10  }
0x32: {  	s10 =	sld [smem:$0x3FB7];
	_ =	sdelay $0x3  }
0x33: {  	p0 =	seq.s32 s10, $0x1;
	s10 =	sld [smem:$0x3FB9];
	_ =	sdelay $0x3  }
0x34: {  	[smem:$0x3FB9] =	sst s10  }
0x35: {  	s10 =	sld [smem:$0x3FB8];
	_ =	sdelay $0x3  }
0x36: {  	p1 =	seq.s32 s10, $0x1;
	s10 =	sld [smem:$0x3FB9];
	_ =	sdelay $0x3  }
0x37: {  	[smem:$0x3FB9] =	sst s10  }
0x38: {  	s10 =	sld [smem:$0x3FBA]  }
0x39: {  	_ = 	snop;
	(pc) =	sbr.ind lr, $3  }
0x3a: {  	_ = 	snop  }
0x3b: {  	_ = 	snop  }
0x3c: {  	p2 =	seq.s32 s10, $0x1;
	s10 =	sld [smem:$0x3FB9]  }
0x3d: {  	_ =	shalt  }
0x3e: {  	_ =	shalt  }
0x3f: {  	_ =	shalt  }
0x40: {  	_ =	shalt  }
0x41: {  	_ =	shalt  }
0x42: {  	_ =	shalt  }
0x43: {  	_ =	shalt  }
0x44: {  	_ =	shalt  }
0x45: {  	_ =	shalt  }
0x46: {  	_ =	shalt  }
0x47: {  	_ =	shalt  }
0x48: {  	_ =	shalt  }
0x49: {  	_ =	shalt  }
0x4a: {  	_ =	shalt  }
0x4b: {  	_ =	shalt  }
0x4c: {  	_ =	shalt  }
0x4d: {  	_ =	shalt  }
0x4e: {  	_ =	shalt  }
0x4f: {  	_ =	shalt  }
0x50: {  	_ =	shalt  }
0x51: {  	_ =	shalt  }
0x52: {  	_ =	shalt  }
0x53: {  	_ =	shalt  }
0x54: {  	_ =	shalt  }
0x55: {  	_ =	shalt  }
0x56: {  	_ =	shalt  }
0x57: {  	_ =	shalt  }
0x58: {  	_ =	shalt  }
0x59: {  	_ =	shalt  }
0x5a: {  	_ =	shalt  }
0x5b: {  	_ =	shalt  }
0x5c: {  	_ =	shalt  }
0x5d: {  	_ =	shalt  }
0x5e: {  	_ =	shalt  }
0x5f: {  	_ =	shalt  }
0x60: {  	_ =	shalt  }
0x61: {  	_ =	shalt  }
0x62: {  	_ =	shalt  }
0x63: {  	_ =	shalt  }
0x64: {  	_ =	shalt  }
0x65: {  	_ =	shalt  }
0x66: {  	_ =	shalt  }
0x67: {  	_ =	shalt  }
0x68: {  	_ =	shalt  }
0x69: {  	_ =	shalt  }
0x6a: {  	_ =	shalt  }
0x6b: {  	_ =	shalt  }
0x6c: {  	_ =	shalt  }
0x6d: {  	_ =	shalt  }
0x6e: {  	_ =	shalt  }
0x6f: {  	_ =	shalt  }
0x70: {  	_ =	shalt  }
0x71: {  	_ =	shalt  }
0x72: {  	_ =	shalt  }
0x73: {  	_ =	shalt  }
0x74: {  	_ =	shalt  }
0x75: {  	_ =	shalt  }
0x76: {  	_ =	shalt  }
0x77: {  	_ =	shalt  }
0x78: {  	_ =	shalt  }
0x79: {  	_ =	shalt  }
0x7a: {  	_ =	shalt  }
0x7b: {  	_ =	shalt  }
0x7c: {  	_ =	shalt  }
0x7d: {  	_ =	shalt  }
0x7e: {  	_ =	shalt  }
0x7f: {  	_ =	shalt  }
0x80: {  	_ =	shalt  }
0x81: {  	_ =	shalt  }
0x82: {  	_ =	shalt  }
0x83: {  	_ =	shalt  }
0x84: {  	_ =	shalt  }
0x85: {  	_ =	shalt  }
0x86: {  	_ =	shalt  }
0x87: {  	_ =	shalt  }
.Lfunc_end0:
.L_simem_size_0:
called_computation_lowered:
.L_overlay_start_0:
0x88: {  	s2 =	sld [smem:$0x3FD9]  }
0x89: {  	s3 =	sld [smem:$0x3FFE];
	_ =	sdelay $0x1  }
0x8a: {  	s1 =	srdreg.scid  }
0x8b: {  	s0 =	sand.u32 $0x1, s1  }
0x8c: {  	s18 =	sshll.u32 s0, $0xA;
	s2 =	sadd.s32 s3, s2  }
0x8d: {  	s2 =	sadd.s32 s2, s18  }
0x8e: {  	[smem:$0x3FC5] =	sst s2  }
0x8f: {  	_ = 	snop  }
0x90: {  	s2 =	sld [smem:$0x3FC9]  }
0x91: {  	s19 =	sld [smem:$0x3FC8]  }
0x92: {  	s4 =	sld [smem:$0x3FC7]  }
0x93: {  	s5 =	sld [smem:$0x3FD0];
	(tm) =	ssettm $0x1  }
0x94: {  	s6 =	sld [smem:$0x3FFB];
	_ =	sdelay $0x3  }
0x95: {  	_ =	strace s6  }
0x96: {  	s6 =	sld [smem:$0x3FFC];
	_ =	sdelay $0x3  }
0x97: {  	_ =	strace s6  }
0x98: {  	s6 =	sld [smem:$0x3FFD];
	_ =	sdelay $0x3  }
0x99: {  	_ =	strace s6  }
0x9a: {  	_ =	strace $0x8FFFFFFF  }
0x9b: {  	s20 =	sld [smem:$0x3FDB];
	_ =	sdelay $0x1  }
0x9c: {  	s7 =	simm.s32 $_scs_section_size  }
0x9d: {  	s8 =	simm.s32 $_size__tile_overlayer_lowered;
	s9 =	simm.s32 $_tile_overlayer_lowered  }
0x9e: {  	s23 =	simm.s32 $0x1BFF;
	s22 =	sshll.u32 s9, $0x1;
	s6 =	sadd.s32 s7, s20  }
0x9f: {  	s10 =	simm.s32 $0x0;
	s21 =	sshll.u32 s8, $0x1;
	s8 =	sadd.s32 s22, s6  }
0xa0: {  	[timem:s10], [sflag:s23] =	dma.local [hbm:s8], s21  }
0xa1: {  	_ =	swait.ge [sflag:s23], s21  }
0xa2: {  	s7 =	ssub.s32 $0x0, s21;
	[sflag:s23] =	ssyncset.done $0x0  }
0xa3: {  	[sflag:s23] =	ssyncadd.s32 s7;
	_ =	sdelay $0x1  }
0xa4: {  	s24 =	simm.s32 $0x1B8B  }
0xa5: {  	_ =	swait.ge [sflag:s24], $0x1  }
0xa6: {  	[sflag:s24] =	ssyncset.done $0x0  }
0xa7: {  	s25 =	simm.s32 $0x1B8E;
	[sflag:s24] =	ssyncadd.s32 $0xFFFFFFFF  }
0xa8: {  	s26 =	simm.s32 $execute0_lowered;
	[smem:$0x3FD2] =	sst s25  }
0xa9: {  	s7 =	sshll.u32 s26, $0x1;
	_ =	strace $0x80000046;
	[dreg:$0x1] =	wrdreg $0xFFFFFFFF  }
0xaa: {  	s28 =	simm.s32 $_size_execute0_lowered;
	s6 =	sadd.s32 s6, s7;
	[dreg:$0x0] =	wrdreg $0x0  }
0xab: {  	s7 =	sshll.u32 s28, $0x1;
	[dreg:$0x2] =	wrdreg s6  }
0xac: {  	[dreg:$0x3] =	wrdreg s7  }
0xad: {  	[dreg:$0x4] =	wrdreg $0xC0  }
0xae: {  	_ =	task [dreg:s10], $0x5FFFF  }
0xaf: {  	[dreg:$0x1] =	wrdreg $0xFFFFFFFF  }
0xb0: {  	[dreg:$0x0] =	wrdreg $0x60  }
0xb1: {  	[dreg:$0x2] =	wrdreg s2  }
0xb2: {  	[dreg:$0x3] =	wrdreg s19  }
0xb3: {  	[dreg:$0x4] =	wrdreg s4  }
0xb4: {  	[dreg:$0x5] =	wrdreg s5  }
0xb5: {  	[dreg:$0x6] =	wrdreg $0x68000  }
0xb6: {  	[dreg:$0x7] =	wrdreg $0x9  }
0xb7: {  	_ =	task.clear_ibuf [dreg:s10], $0x8FFFF;
	_ =	strace $0x90000046  }
0xb8: {  	s29 =	simm.s32 $0x9;
	_ =	strace $0x80000048  }
0xb9: {  	_ =	swait.ge [sflag:s29], $0x1  }
0xba: {  	[sflag:s29] =	ssyncadd.s32 $0xFFFFFFFF  }
0xbb: {  	_ =	strace $0x90000048  }
0xbc: {  	_ =	sfence  }
0xbd: {  	s30 =	sld [smem:$0x0];
	_ =	sdelay $0x2  }
0xbe: {  	s31 =	sshll.u32 s1, $0xD;
	s1 =	sshrl.u32 s1, $0x2  }
0xbf: {  	s3 =	sand.u32 $0x4000, s31;
	s1 =	sadd.s32 s1, s30  }
0xc0: {  	s0 =	sor.u32 s3, s0;
	s1 =	sshll.u32 s1, $0x11  }
0xc1: {  	s0 =	sor.u32 s1, s0  }
0xc2: {  	s0 =	sadd.s32 $0x8F2B, s0  }
0xc3: {  	[sflag:s0] =	ssyncadd.remote.s32 $0x1  }
0xc4: {  	_ =	sfence.sel $0xFFFF  }
0xc5: {  	[dreg:$0x0] =	wrdreg $0xFFFFFFFF;
	(pc) =	sbr.abs _section_cstart, $3  }
0xc6: {  	[dreg:$0x1] =	wrdreg $0xFFFFFFFF  }
0xc7: {  	_ =	task.clear_ibuf [dreg:s10], $0x2FFFF;
	_ =	strace $0x9FFFFFFF  }
0xc8: {  	(tm) =	ssettm $0x7FFFFFFF  }
0xc9: {  	_ =	shalt  }
tec
execute0_lowered:
.L_overlay_start_1:
0x0: {  	(tag) =	ssettag $0x1  }
0x1: {  	s7 =	rddreg [dreg:$0x0]  }
0x2: {  	s1 =	rddreg [dreg:$0x1]  }
0x3: {  	s5 =	rddreg [dreg:$0x2]  }
0x4: {  	s8 =	rddreg [dreg:$0x3]  }
0x5: {  	s3 =	rddreg [dreg:$0x4]  }
0x6: {  	s0 =	rddreg [dreg:$0x5];
	s2 =	stileid.u32  }
0x7: {  	s6 =	srdreg.scid;
	s4 =	simm.s32 $0x0;
	s10 =	smul.u32 $0x4F000, s2  }
0x8: {  	s6 =	sand.u32 $0x1, s6;
	[smem:$0x7FF] =	sst s4;
	s12 =	smul.u32 $0x13C00, s2  }
0x9: {  	s13 =	sshll.u32 s2, $0x1;
	s31 =	sshll.u32 s2, $0x6;
	s9 =	ssub.s32 $0x2, s6  }
0xa: {  	_ =	strace $0x80000047;
	s14 =	smul.u32 $0x13C000, s6;
	s6 =	sor.u32 s6, s13  }
0xb: {  	s11 =	sshrl.u32 s9, $0x1;
	s10 =	sshrl.u32 s10, $0x2;
	s29 =	sshrl.u32 s12, $0x3  }
0xc: {  	s13 =	smul.u32 $0x500, s6;
	s6 =	sor.u32 $0x1C01, s31;
	s9 =	ssub.s32 s9, s11  }
0xd: {  	s10 =	sadd.s32 s10, s3;
	s30 =	sadd.s32 s12, s14;
	s5 =	sadd.s32 s5, s29  }
0xe: {  	s11 =	simm.s32 $0x1;
	s14 =	simm.s32 $0x0;
	s12 =	sshrl.u32 s30, $0x3  }
0xf: {  	s7 =	sadd.s32 s7, s13;
	s9 =	smax.u32 s9, $0x1;
	s10 =	sshrl.u32 s10, $0x3  }
0x10: {  	s13 =	simm.s32 $0x80;
	s8 =	sadd.s32 s8, s12;
	s12 =	simm.s32 $0x2800  }
.LBB2_1:
0x11: {  	[spmem:s10], [sflag:s6] =	dma.local [hbm:s5], $0x2780  }
0x12: {  	_ =	swait.ge [sflag:s11], $0x2780  }
0x13: {  	[sflag:s11] =	ssyncset.done $0x0  }
0x14: {  	[sflag:s11] =	ssyncadd.s32 $0xFFFFD880  }
0x15: {  	[tilespmem:s4], [sflag:$0x1] =	stream.linear.gather [hbm4b:s7+s4], $0x2800, $0x38;
	[tilespmem:$0x1A400] =	vst v63  }
0x16: {  	_ =	swait.ge [sflag:s11], $0x2800  }
0x17: {  	[sflag:s11] =	ssyncset.done $0x0  }
0x18: {  	[sflag:s11] =	ssyncadd.s32 $0xFFFFD800  }
0x19: {  	[tilespmem:s12], [sflag:$0x1] =	stream.linear.gather [hbm4b:s1+s4], $0x4000, $0x38;
	[tilespmem:$0x1A400] =	vst v63  }
0x1a: {  	_ =	swait.ge [sflag:s11], $0x4000  }
0x1b: {  	[sflag:s11] =	ssyncset.done $0x0  }
0x1c: {  	[sflag:s11] =	ssyncadd.s32 $0xFFFFC000  }
0x1d: {  	s15 =	simm.s32 $0x0;
	[bflag:$0x0] =	sbarrier.arrive $0xFFFF  }
0x1e: {  	[spmem:s3] =	stream.indirect.scatter.add.f32 [tilespmem:s12], [sflag:$0x1], $0x80, s15, s13, $0xb8;
	[tilespmem:$0x1A400] =	vst v63  }
0x1f: {  	_ =	swait.ge [sflag:s11], $0x4000  }
0x20: {  	s15 =	simm.s32 $0x200;
	[sflag:s11] =	ssyncset.done $0x0  }
.LBB2_2:
0x21: {  	s16 =	sshra.s32 s15, $0x2;
	[sflag:s11] =	ssyncadd.s32 $0xFFFFC000;
	p0 =	sne.s32 s15, $0x9E00  }
0x22: {  	[spmem:s3] =	stream.indirect.scatter.add.f32 [tilespmem:s12], [sflag:$0x1], $0x80, s16, s13, $0xb8;
	[tilespmem:$0x1A400] =	vst v63  }
.Ltmp0:
0x23: {  	_ = 	snop;
	(pc) =	sbr.rel @p0 .LBB2_2-.Ltmp0, $4  }
0x24: {  	_ = 	snop  }
0x25: {  	s15 =	sadd.s32 $0x200, s15  }
0x26: {  	_ =	swait.ge [sflag:s11], $0x4000  }
0x27: {  	[sflag:s11] =	ssyncset.done $0x0  }
0x28: {  	s14 =	sadd.s32 $0x1, s14  }
0x29: {  	[sflag:s11] =	ssyncadd.s32 $0xFFFFC000;
	p0 =	sne.s32 s14, s9  }
.Ltmp1:
0x2a: {  	[bflag:$0x0] =	sbarrier.arrive $0xFFFF;
	(pc) =	sbr.rel @p0 .LBB2_1-.Ltmp1, $4  }
0x2b: {  	[hbm:s8], [sflag:s6] =	dma.local [spmem:s10], $0x2780  }
0x2c: {  	_ =	swait.ge [sflag:s11], $0x2780  }
0x2d: {  	[sflag:s11] =	ssyncset.done $0x0  }
0x2e: {  	[sflag:s11] =	ssyncadd.s32 $0xFFFFD880  }
0x2f: {  	_ =	sfence.sel $0x180000  }
0x30: {  	[bflag:$0x0] =	sbarrier.arrive $0xFFFF  }
0x31: {  	p0 =	sne.s32 s2, $0x0;
	_ =	strace $0x90000047  }
0x32: {  	s0 =	sadd.s32 @!p0 $0x100000, s0;
	[bflag:$0x2] =	sbarrier.arrive $0xFFFF  }
0x33: {  	[sflag:s0] =	ssyncadd.tile.s32 @!p0 $0x1;
	_ =	shalt  }
.Lfunc_end2:
_tile_overlayer_lowered:
.L_overlay_start_2:
0x34: {  	(tag) =	ssettag $0x2  }
0x35: {  	s0 =	rddreg [dreg:$0x0];
	s2 =	stileid.u32  }
0x36: {  	s1 =	rddreg [dreg:$0x1];
	p0 =	sne.s32 s2, $0x0  }
0x37: {  	s3 =	rddreg [dreg:$0x2];
	[bflag:$0x3] =	sbarrier.arrive $0xFFFF;
	s2 =	simm.s32 @!p0 $0x1C01  }
0x38: {  	[timem:s3], [sflag:s2] =	dma.local @!p0 [hbm:s0], s1  }
0x39: {  	s0 =	simm.s32 @!p0 $0x1  }
0x3a: {  	_ =	swait.ge @!p0 [sflag:s0], s1  }
0x3b: {  	s1 =	ssub.s32 @!p0 $0x0, s1;
	[sflag:s0] =	ssyncset.done @!p0 $0x0  }
0x3c: {  	[sflag:s0] =	ssyncadd.s32 @!p0 s1  }
0x3d: {  	[bflag:$0x3] =	sbarrier.arrive $0xFFFF  }
0x3e: {  	_ =	shalt  }

</sc_bundles>
